<compile_context>
chip_gen: v7x
topology: tpu7x:2x2x1
jax: 0.10.2.dev20260603
libtpu: 0.0.44.dev20260713+nightly
codegen_flags: <defaults>
</compile_context>

<pallas_src>
import jax
import jax.numpy as jnp
from jax import lax
from jax.experimental import pallas as pl
from jax.experimental.pallas import tpu as pltpu
from jax.experimental.pallas import tpu_sc as plsc

B = 16
L = 4096
D = 512
H = 2
DH = D // H
NREG = DH // 16
G = 128
NVREG_L = L // 16
CUNROLL = 4
RUNROLL = 2


def _sc_body(table_hbm, mask_hbm, out_hbm,
             mask_v, idx_v, buf0, buf1, out_v, sem0, sem1):
    b = lax.axis_index("s")
    h = lax.axis_index("c")

    pltpu.sync_copy(mask_hbm.at[b], mask_v)

    maxs = tuple(jnp.full((16,), 1.0, jnp.float32) for _ in range(NREG))
    mins = tuple(jnp.full((16,), 0.0, jnp.float32) for _ in range(NREG))

    for f in range(NREG):
        out_v[pl.ds(f * 16, 16)] = maxs[f] - mins[f]
    pltpu.sync_copy(out_v, out_hbm.at[b, pl.ds(h * DH, DH)])


@jax.jit
def _run(table, mask32):
    mesh = plsc.VectorSubcoreMesh(core_axis_name="c", subcore_axis_name="s")
    return pl.kernel(
        _sc_body,
        out_type=jax.ShapeDtypeStruct((B, D), jnp.float32),
        mesh=mesh,
        scratch_types=[
            pltpu.VMEM((L,), jnp.int32),
            pltpu.VMEM((L + G,), jnp.int32),
            pltpu.VMEM((G, DH), jnp.float32),
            pltpu.VMEM((G, DH), jnp.float32),
            pltpu.VMEM((DH,), jnp.float32),
            pltpu.SemaphoreType.DMA,
            pltpu.SemaphoreType.DMA,
        ],
        compiler_params=pltpu.CompilerParams(needs_layout_passes=False),
    )(table, mask32)


def kernel(embeddings, mask):
    table = embeddings.reshape(B * L * H, DH)
    mask32 = mask.astype(jnp.int32)
    return _run(table, mask32)

# --- scband reference (transcript-rebuilt; emitter-appended) ---
"""Pipeline reference for scband-feature-aggregator-74062416053446 (READ-ONLY COPY).

The authoritative reference and input builder live on the scoring server;
editing this copy changes nothing except your own understanding.
"""

import jax, jax.numpy as jnp
import numpy as np


def setup_inputs(seed: int = 0) -> dict:
    key = jax.random.key(seed)
    k1, k2 = jax.random.split(key)
    embeddings = jax.random.normal(k1, (16, 4096, 512), dtype=jnp.float32)
    mask = jax.random.randint(k2, (16, 4096), 0, 2, dtype=jnp.int64)
    return {"embeddings": embeddings, "mask": mask}


def reference(embeddings, mask):
    # Faithful translation of FeatureAggregator(mode='max_min').forward:
    # for each batch row i, select embeddings[i][mask[i]==1], then max-min over the
    # valid (masked) rows. Vectorized with masked reductions: invalid positions are
    # replaced by -inf for the max and +inf for the min, which is exactly equivalent
    # to reducing over only the valid rows (assuming each row has >=1 valid entry,
    # as the torch original requires).
    m = (mask == 1)[:, :, None]
    max_val = jnp.max(jnp.where(m, embeddings, -jnp.inf), axis=1)
    min_val = jnp.min(jnp.where(m, embeddings, jnp.inf), axis=1)
    feat_e = max_val - min_val
    return feat_e

if __name__ == "__main__":
    import jax
    _d = setup_inputs()
    print(jax.jit(kernel)(*tuple(_d.values())))

</pallas_src>

<mosaic_0001>
#map = affine_map<(d0, d1) -> (0, 0)>
module attributes {stable_mosaic.version = 14 : i64} {
  func.func @_sc_body(%arg0: i32, %arg1: i32, %arg2: memref<131072x256xf32, #tpu.memory_space<hbm>>, %arg3: memref<16x4096xi32, #tpu.memory_space<hbm>>, %arg4: memref<16x512xf32, #tpu.memory_space<hbm>>, %arg5: memref<4096xi32, #tpu.memory_space<vmem>>, %arg6: memref<4224xi32, #tpu.memory_space<vmem>>, %arg7: memref<128x256xf32, #tpu.memory_space<vmem>>, %arg8: memref<128x256xf32, #tpu.memory_space<vmem>>, %arg9: memref<256xf32, #tpu.memory_space<vmem>>, %arg10: memref<!tpu.dma_semaphore, #tpu.memory_space<semaphore_mem>>, %arg11: memref<!tpu.dma_semaphore, #tpu.memory_space<semaphore_mem>>) attributes {dimension_semantics = [#tpu.dimension_semantics<core_parallel>, #tpu.dimension_semantics<subcore_parallel>], iteration_bounds = array<i64: 2, 16>, scalar_prefetch = 0 : i64, scratch_operands = 7 : i64, tpu.core_type = #tpu.core_type<sc_vector_subcore>, window_params = [{transform_indices = #map}, {transform_indices = #map}, {transform_indices = #map}]} {
    "tpu.region"() ({
      %run_scoped3A = tpu.sem_alloc : memref<!tpu.dma_semaphore, #tpu.memory_space<semaphore_mem>>
      %dma_start3A = arith.constant 0 : i32
      %dma_start3A_110 = tpu.memref_slice %arg3[%arg1, %dma_start3A] : memref<16x4096xi32, #tpu.memory_space<hbm>> -> memref<1x4096xi32, #tpu.memory_space<hbm>>
      %dma_start3A_111 = tpu.memref_squeeze %dma_start3A_110 : memref<1x4096xi32, #tpu.memory_space<hbm>> -> memref<4096xi32, #tpu.memory_space<hbm>>
      %dma_start3A_112 = arith.constant 0 : i32
      %dma_start3A_113 = tpu.memref_slice %arg3[%arg1, %dma_start3A_112] : memref<16x4096xi32, #tpu.memory_space<hbm>> -> memref<1x4096xi32, #tpu.memory_space<hbm>>
      %dma_start3A_114 = tpu.memref_squeeze %dma_start3A_113 : memref<1x4096xi32, #tpu.memory_space<hbm>> -> memref<4096xi32, #tpu.memory_space<hbm>>
      tpu.enqueue_dma source(%dma_start3A_114 : memref<4096xi32, #tpu.memory_space<hbm>>) target(%arg5 : memref<4096xi32, #tpu.memory_space<vmem>>) target_semaphore(%run_scoped3A : memref<!tpu.dma_semaphore, #tpu.memory_space<semaphore_mem>>)
      %dma_wait3A = arith.constant 0 : i32
      %dma_wait3A_115 = tpu.memref_slice %arg3[%arg1, %dma_wait3A] : memref<16x4096xi32, #tpu.memory_space<hbm>> -> memref<1x4096xi32, #tpu.memory_space<hbm>>
      %dma_wait3A_116 = tpu.memref_squeeze %dma_wait3A_115 : memref<1x4096xi32, #tpu.memory_space<hbm>> -> memref<4096xi32, #tpu.memory_space<hbm>>
      %dma_wait3A_117 = arith.constant 0 : i32
      %dma_wait3A_118 = tpu.memref_slice %arg3[%arg1, %dma_wait3A_117] : memref<16x4096xi32, #tpu.memory_space<hbm>> -> memref<1x4096xi32, #tpu.memory_space<hbm>>
      %dma_wait3A_119 = tpu.memref_squeeze %dma_wait3A_118 : memref<1x4096xi32, #tpu.memory_space<hbm>> -> memref<4096xi32, #tpu.memory_space<hbm>>
      tpu.wait_dma2 semaphore(%run_scoped3A : memref<!tpu.dma_semaphore, #tpu.memory_space<semaphore_mem>>) src(%dma_wait3A_119 : memref<4096xi32, #tpu.memory_space<hbm>>) dst(%arg5 : memref<4096xi32, #tpu.memory_space<vmem>>)
      tpu.yield
    }) : () -> ()
    %broadcast_in_dim3A = arith.constant 1.000000e+00 : f32
    %broadcast_in_dim3A_0 = vector.broadcast %broadcast_in_dim3A : f32 to vector<16xf32>
    %broadcast_in_dim3A_1 = arith.constant 1.000000e+00 : f32
    %broadcast_in_dim3A_2 = vector.broadcast %broadcast_in_dim3A_1 : f32 to vector<16xf32>
    %broadcast_in_dim3A_3 = arith.constant 1.000000e+00 : f32
    %broadcast_in_dim3A_4 = vector.broadcast %broadcast_in_dim3A_3 : f32 to vector<16xf32>
    %broadcast_in_dim3A_5 = arith.constant 1.000000e+00 : f32
    %broadcast_in_dim3A_6 = vector.broadcast %broadcast_in_dim3A_5 : f32 to vector<16xf32>
    %broadcast_in_dim3A_7 = arith.constant 1.000000e+00 : f32
    %broadcast_in_dim3A_8 = vector.broadcast %broadcast_in_dim3A_7 : f32 to vector<16xf32>
    %broadcast_in_dim3A_9 = arith.constant 1.000000e+00 : f32
    %broadcast_in_dim3A_10 = vector.broadcast %broadcast_in_dim3A_9 : f32 to vector<16xf32>
    %broadcast_in_dim3A_11 = arith.constant 1.000000e+00 : f32
    %broadcast_in_dim3A_12 = vector.broadcast %broadcast_in_dim3A_11 : f32 to vector<16xf32>
    %broadcast_in_dim3A_13 = arith.constant 1.000000e+00 : f32
    %broadcast_in_dim3A_14 = vector.broadcast %broadcast_in_dim3A_13 : f32 to vector<16xf32>
    %broadcast_in_dim3A_15 = arith.constant 1.000000e+00 : f32
    %broadcast_in_dim3A_16 = vector.broadcast %broadcast_in_dim3A_15 : f32 to vector<16xf32>
    %broadcast_in_dim3A_17 = arith.constant 1.000000e+00 : f32
    %broadcast_in_dim3A_18 = vector.broadcast %broadcast_in_dim3A_17 : f32 to vector<16xf32>
    %broadcast_in_dim3A_19 = arith.constant 1.000000e+00 : f32
    %broadcast_in_dim3A_20 = vector.broadcast %broadcast_in_dim3A_19 : f32 to vector<16xf32>
    %broadcast_in_dim3A_21 = arith.constant 1.000000e+00 : f32
    %broadcast_in_dim3A_22 = vector.broadcast %broadcast_in_dim3A_21 : f32 to vector<16xf32>
    %broadcast_in_dim3A_23 = arith.constant 1.000000e+00 : f32
    %broadcast_in_dim3A_24 = vector.broadcast %broadcast_in_dim3A_23 : f32 to vector<16xf32>
    %broadcast_in_dim3A_25 = arith.constant 1.000000e+00 : f32
    %broadcast_in_dim3A_26 = vector.broadcast %broadcast_in_dim3A_25 : f32 to vector<16xf32>
    %broadcast_in_dim3A_27 = arith.constant 1.000000e+00 : f32
    %broadcast_in_dim3A_28 = vector.broadcast %broadcast_in_dim3A_27 : f32 to vector<16xf32>
    %broadcast_in_dim3A_29 = arith.constant 1.000000e+00 : f32
    %broadcast_in_dim3A_30 = vector.broadcast %broadcast_in_dim3A_29 : f32 to vector<16xf32>
    %broadcast_in_dim3A_31 = arith.constant 0.000000e+00 : f32
    %broadcast_in_dim3A_32 = vector.broadcast %broadcast_in_dim3A_31 : f32 to vector<16xf32>
    %broadcast_in_dim3A_33 = arith.constant 0.000000e+00 : f32
    %broadcast_in_dim3A_34 = vector.broadcast %broadcast_in_dim3A_33 : f32 to vector<16xf32>
    %broadcast_in_dim3A_35 = arith.constant 0.000000e+00 : f32
    %broadcast_in_dim3A_36 = vector.broadcast %broadcast_in_dim3A_35 : f32 to vector<16xf32>
    %broadcast_in_dim3A_37 = arith.constant 0.000000e+00 : f32
    %broadcast_in_dim3A_38 = vector.broadcast %broadcast_in_dim3A_37 : f32 to vector<16xf32>
    %broadcast_in_dim3A_39 = arith.constant 0.000000e+00 : f32
    %broadcast_in_dim3A_40 = vector.broadcast %broadcast_in_dim3A_39 : f32 to vector<16xf32>
    %broadcast_in_dim3A_41 = arith.constant 0.000000e+00 : f32
    %broadcast_in_dim3A_42 = vector.broadcast %broadcast_in_dim3A_41 : f32 to vector<16xf32>
    %broadcast_in_dim3A_43 = arith.constant 0.000000e+00 : f32
    %broadcast_in_dim3A_44 = vector.broadcast %broadcast_in_dim3A_43 : f32 to vector<16xf32>
    %broadcast_in_dim3A_45 = arith.constant 0.000000e+00 : f32
    %broadcast_in_dim3A_46 = vector.broadcast %broadcast_in_dim3A_45 : f32 to vector<16xf32>
    %broadcast_in_dim3A_47 = arith.constant 0.000000e+00 : f32
    %broadcast_in_dim3A_48 = vector.broadcast %broadcast_in_dim3A_47 : f32 to vector<16xf32>
    %broadcast_in_dim3A_49 = arith.constant 0.000000e+00 : f32
    %broadcast_in_dim3A_50 = vector.broadcast %broadcast_in_dim3A_49 : f32 to vector<16xf32>
    %broadcast_in_dim3A_51 = arith.constant 0.000000e+00 : f32
    %broadcast_in_dim3A_52 = vector.broadcast %broadcast_in_dim3A_51 : f32 to vector<16xf32>
    %broadcast_in_dim3A_53 = arith.constant 0.000000e+00 : f32
    %broadcast_in_dim3A_54 = vector.broadcast %broadcast_in_dim3A_53 : f32 to vector<16xf32>
    %broadcast_in_dim3A_55 = arith.constant 0.000000e+00 : f32
    %broadcast_in_dim3A_56 = vector.broadcast %broadcast_in_dim3A_55 : f32 to vector<16xf32>
    %broadcast_in_dim3A_57 = arith.constant 0.000000e+00 : f32
    %broadcast_in_dim3A_58 = vector.broadcast %broadcast_in_dim3A_57 : f32 to vector<16xf32>
    %broadcast_in_dim3A_59 = arith.constant 0.000000e+00 : f32
    %broadcast_in_dim3A_60 = vector.broadcast %broadcast_in_dim3A_59 : f32 to vector<16xf32>
    %broadcast_in_dim3A_61 = arith.constant 0.000000e+00 : f32
    %broadcast_in_dim3A_62 = vector.broadcast %broadcast_in_dim3A_61 : f32 to vector<16xf32>
    %sub3A = arith.subf %broadcast_in_dim3A_0, %broadcast_in_dim3A_32 : vector<16xf32>
    %swap3A = arith.constant 0 : index
    %swap3A_63 = tpu.vector_load %arg9[%swap3A] {strides = array<i32>} : memref<256xf32, #tpu.memory_space<vmem>>, vector<16xf32>,
    tpu.vector_store %arg9[%swap3A], %sub3A {strides = array<i32>} : memref<256xf32, #tpu.memory_space<vmem>>, vector<16xf32>,
    %sub3A_64 = arith.subf %broadcast_in_dim3A_2, %broadcast_in_dim3A_34 : vector<16xf32>
    %swap3A_65 = arith.constant 16 : index
    %swap3A_66 = tpu.vector_load %arg9[%swap3A_65] {strides = array<i32>} : memref<256xf32, #tpu.memory_space<vmem>>, vector<16xf32>,
    tpu.vector_store %arg9[%swap3A_65], %sub3A_64 {strides = array<i32>} : memref<256xf32, #tpu.memory_space<vmem>>, vector<16xf32>,
    %sub3A_67 = arith.subf %broadcast_in_dim3A_4, %broadcast_in_dim3A_36 : vector<16xf32>
    %swap3A_68 = arith.constant 32 : index
    %swap3A_69 = tpu.vector_load %arg9[%swap3A_68] {strides = array<i32>} : memref<256xf32, #tpu.memory_space<vmem>>, vector<16xf32>,
    tpu.vector_store %arg9[%swap3A_68], %sub3A_67 {strides = array<i32>} : memref<256xf32, #tpu.memory_space<vmem>>, vector<16xf32>,
    %sub3A_70 = arith.subf %broadcast_in_dim3A_6, %broadcast_in_dim3A_38 : vector<16xf32>
    %swap3A_71 = arith.constant 48 : index
    %swap3A_72 = tpu.vector_load %arg9[%swap3A_71] {strides = array<i32>} : memref<256xf32, #tpu.memory_space<vmem>>, vector<16xf32>,
    tpu.vector_store %arg9[%swap3A_71], %sub3A_70 {strides = array<i32>} : memref<256xf32, #tpu.memory_space<vmem>>, vector<16xf32>,
    %sub3A_73 = arith.subf %broadcast_in_dim3A_8, %broadcast_in_dim3A_40 : vector<16xf32>
    %swap3A_74 = arith.constant 64 : index
    %swap3A_75 = tpu.vector_load %arg9[%swap3A_74] {strides = array<i32>} : memref<256xf32, #tpu.memory_space<vmem>>, vector<16xf32>,
    tpu.vector_store %arg9[%swap3A_74], %sub3A_73 {strides = array<i32>} : memref<256xf32, #tpu.memory_space<vmem>>, vector<16xf32>,
    %sub3A_76 = arith.subf %broadcast_in_dim3A_10, %broadcast_in_dim3A_42 : vector<16xf32>
    %swap3A_77 = arith.constant 80 : index
    %swap3A_78 = tpu.vector_load %arg9[%swap3A_77] {strides = array<i32>} : memref<256xf32, #tpu.memory_space<vmem>>, vector<16xf32>,
    tpu.vector_store %arg9[%swap3A_77], %sub3A_76 {strides = array<i32>} : memref<256xf32, #tpu.memory_space<vmem>>, vector<16xf32>,
    %sub3A_79 = arith.subf %broadcast_in_dim3A_12, %broadcast_in_dim3A_44 : vector<16xf32>
    %swap3A_80 = arith.constant 96 : index
    %swap3A_81 = tpu.vector_load %arg9[%swap3A_80] {strides = array<i32>} : memref<256xf32, #tpu.memory_space<vmem>>, vector<16xf32>,
    tpu.vector_store %arg9[%swap3A_80], %sub3A_79 {strides = array<i32>} : memref<256xf32, #tpu.memory_space<vmem>>, vector<16xf32>,
    %sub3A_82 = arith.subf %broadcast_in_dim3A_14, %broadcast_in_dim3A_46 : vector<16xf32>
    %swap3A_83 = arith.constant 112 : index
    %swap3A_84 = tpu.vector_load %arg9[%swap3A_83] {strides = array<i32>} : memref<256xf32, #tpu.memory_space<vmem>>, vector<16xf32>,
    tpu.vector_store %arg9[%swap3A_83], %sub3A_82 {strides = array<i32>} : memref<256xf32, #tpu.memory_space<vmem>>, vector<16xf32>,
    %sub3A_85 = arith.subf %broadcast_in_dim3A_16, %broadcast_in_dim3A_48 : vector<16xf32>
    %swap3A_86 = arith.constant 128 : index
    %swap3A_87 = tpu.vector_load %arg9[%swap3A_86] {strides = array<i32>} : memref<256xf32, #tpu.memory_space<vmem>>, vector<16xf32>,
    tpu.vector_store %arg9[%swap3A_86], %sub3A_85 {strides = array<i32>} : memref<256xf32, #tpu.memory_space<vmem>>, vector<16xf32>,
    %sub3A_88 = arith.subf %broadcast_in_dim3A_18, %broadcast_in_dim3A_50 : vector<16xf32>
    %swap3A_89 = arith.constant 144 : index
    %swap3A_90 = tpu.vector_load %arg9[%swap3A_89] {strides = array<i32>} : memref<256xf32, #tpu.memory_space<vmem>>, vector<16xf32>,
    tpu.vector_store %arg9[%swap3A_89], %sub3A_88 {strides = array<i32>} : memref<256xf32, #tpu.memory_space<vmem>>, vector<16xf32>,
    %sub3A_91 = arith.subf %broadcast_in_dim3A_20, %broadcast_in_dim3A_52 : vector<16xf32>
    %swap3A_92 = arith.constant 160 : index
    %swap3A_93 = tpu.vector_load %arg9[%swap3A_92] {strides = array<i32>} : memref<256xf32, #tpu.memory_space<vmem>>, vector<16xf32>,
    tpu.vector_store %arg9[%swap3A_92], %sub3A_91 {strides = array<i32>} : memref<256xf32, #tpu.memory_space<vmem>>, vector<16xf32>,
    %sub3A_94 = arith.subf %broadcast_in_dim3A_22, %broadcast_in_dim3A_54 : vector<16xf32>
    %swap3A_95 = arith.constant 176 : index
    %swap3A_96 = tpu.vector_load %arg9[%swap3A_95] {strides = array<i32>} : memref<256xf32, #tpu.memory_space<vmem>>, vector<16xf32>,
    tpu.vector_store %arg9[%swap3A_95], %sub3A_94 {strides = array<i32>} : memref<256xf32, #tpu.memory_space<vmem>>, vector<16xf32>,
    %sub3A_97 = arith.subf %broadcast_in_dim3A_24, %broadcast_in_dim3A_56 : vector<16xf32>
    %swap3A_98 = arith.constant 192 : index
    %swap3A_99 = tpu.vector_load %arg9[%swap3A_98] {strides = array<i32>} : memref<256xf32, #tpu.memory_space<vmem>>, vector<16xf32>,
    tpu.vector_store %arg9[%swap3A_98], %sub3A_97 {strides = array<i32>} : memref<256xf32, #tpu.memory_space<vmem>>, vector<16xf32>,
    %sub3A_100 = arith.subf %broadcast_in_dim3A_26, %broadcast_in_dim3A_58 : vector<16xf32>
    %swap3A_101 = arith.constant 208 : index
    %swap3A_102 = tpu.vector_load %arg9[%swap3A_101] {strides = array<i32>} : memref<256xf32, #tpu.memory_space<vmem>>, vector<16xf32>,
    tpu.vector_store %arg9[%swap3A_101], %sub3A_100 {strides = array<i32>} : memref<256xf32, #tpu.memory_space<vmem>>, vector<16xf32>,
    %sub3A_103 = arith.subf %broadcast_in_dim3A_28, %broadcast_in_dim3A_60 : vector<16xf32>
    %swap3A_104 = arith.constant 224 : index
    %swap3A_105 = tpu.vector_load %arg9[%swap3A_104] {strides = array<i32>} : memref<256xf32, #tpu.memory_space<vmem>>, vector<16xf32>,
    tpu.vector_store %arg9[%swap3A_104], %sub3A_103 {strides = array<i32>} : memref<256xf32, #tpu.memory_space<vmem>>, vector<16xf32>,
    %sub3A_106 = arith.subf %broadcast_in_dim3A_30, %broadcast_in_dim3A_62 : vector<16xf32>
    %swap3A_107 = arith.constant 240 : index
    %swap3A_108 = tpu.vector_load %arg9[%swap3A_107] {strides = array<i32>} : memref<256xf32, #tpu.memory_space<vmem>>, vector<16xf32>,
    tpu.vector_store %arg9[%swap3A_107], %sub3A_106 {strides = array<i32>} : memref<256xf32, #tpu.memory_space<vmem>>, vector<16xf32>,
    %mul3A = arith.constant 256 : i32
    %mul3A_109 = arith.muli %arg0, %mul3A : i32
    "tpu.region"() ({
      %run_scoped3A = tpu.sem_alloc : memref<!tpu.dma_semaphore, #tpu.memory_space<semaphore_mem>>
      %dma_start3A = tpu.memref_slice %arg4[%arg1, %mul3A_109] : memref<16x512xf32, #tpu.memory_space<hbm>> -> memref<1x256xf32, #tpu.memory_space<hbm>>
      %dma_start3A_110 = tpu.memref_squeeze %dma_start3A : memref<1x256xf32, #tpu.memory_space<hbm>> -> memref<256xf32, #tpu.memory_space<hbm>>
      %dma_start3A_111 = tpu.memref_slice %arg4[%arg1, %mul3A_109] : memref<16x512xf32, #tpu.memory_space<hbm>> -> memref<1x256xf32, #tpu.memory_space<hbm>>
      %dma_start3A_112 = tpu.memref_squeeze %dma_start3A_111 : memref<1x256xf32, #tpu.memory_space<hbm>> -> memref<256xf32, #tpu.memory_space<hbm>>
      tpu.enqueue_dma source(%arg9 : memref<256xf32, #tpu.memory_space<vmem>>) target(%dma_start3A_112 : memref<256xf32, #tpu.memory_space<hbm>>) target_semaphore(%run_scoped3A : memref<!tpu.dma_semaphore, #tpu.memory_space<semaphore_mem>>)
      %dma_wait3A = tpu.memref_slice %arg4[%arg1, %mul3A_109] : memref<16x512xf32, #tpu.memory_space<hbm>> -> memref<1x256xf32, #tpu.memory_space<hbm>>
      %dma_wait3A_113 = tpu.memref_squeeze %dma_wait3A : memref<1x256xf32, #tpu.memory_space<hbm>> -> memref<256xf32, #tpu.memory_space<hbm>>
      %dma_wait3A_114 = tpu.memref_slice %arg4[%arg1, %mul3A_109] : memref<16x512xf32, #tpu.memory_space<hbm>> -> memref<1x256xf32, #tpu.memory_space<hbm>>
      %dma_wait3A_115 = tpu.memref_squeeze %dma_wait3A_114 : memref<1x256xf32, #tpu.memory_space<hbm>> -> memref<256xf32, #tpu.memory_space<hbm>>
      tpu.wait_dma2 semaphore(%run_scoped3A : memref<!tpu.dma_semaphore, #tpu.memory_space<semaphore_mem>>) src(%arg9 : memref<256xf32, #tpu.memory_space<vmem>>) dst(%dma_wait3A_115 : memref<256xf32, #tpu.memory_space<hbm>>)
      tpu.yield
    }) : () -> ()
    return
  }
}

</mosaic_0001>

<sc_bundles>
// kernel: _run.3.cloned.1.call-start
scs
__scs_entry_jumppad:
0x0: {  	(pc) =	sbr.rel $0x88, $3  }
0x1: {  	(tag) =	ssettag $0x0;
	lr =	simm.s32 $0x1  }
0x2: {  	[smem:$0x3F9F] =	sst lr;
	_ =	strace $0xD0000000  }
0x3: {  	_ = 	snop  }
0x4: {  	_ = 	snop  }
0x5: {  	_ = 	snop  }
0x6: {  	_ = 	snop  }
0x7: {  	_ = 	snop  }
__scs_overlays_trampoline_lowered:
0x8: {  	[smem:$0x3FAE] =	sst s0  }
0x9: {  	[smem:$0x3FAF] =	sst s1  }
0xa: {  	[smem:$0x3FB0] =	sst s2  }
0xb: {  	[smem:$0x3FB1] =	sst s3  }
0xc: {  	[smem:$0x3FB2] =	sst s4  }
0xd: {  	[smem:$0x3FB3] =	sst s5  }
0xe: {  	[smem:$0x3FB4] =	sst s6  }
0xf: {  	[smem:$0x3FB5] =	sst s7  }
0x10: {  	[smem:$0x3FB6] =	sst s8  }
0x11: {  	[smem:$0x3FB7] =	sst s9;
	s0 =	simm.s32 @!p0 $0x0  }
0x12: {  	s1 =	sld [smem:$0x3F9D];
	s0 =	simm.s32 @p0 $0x1  }
0x13: {  	[smem:$0x3FB8] =	sst s0;
	s0 =	simm.s32 @!p1 $0x0  }
0x14: {  	s2 =	sld [smem:$0x3F9C];
	s0 =	simm.s32 @p1 $0x1  }
0x15: {  	[smem:$0x3FB9] =	sst s0;
	s0 =	simm.s32 @!p2 $0x0  }
0x16: {  	s3 =	sld [smem:$0x3FDB];
	s0 =	simm.s32 @p2 $0x1  }
0x17: {  	s4 =	simm.s32 $0x1BF5;
	[smem:$0x3FBB] =	sst s0  }
0x18: {  	s0 =	sld [smem:$0x3F9E];
	_ =	swait.ge [sflag:s4], $0x0  }
0x19: {  	s7 =	sld [smem:$0x3F9F]  }
0x1a: {  	s8 =	sadd.s32 $0xFFFFE003, lr  }
0x1b: {  	s9 =	sadd.s32 $0xFFFFFEF7, lr;
	s5 =	simm.s32 $0xFFFFFFFF;
	p2 =	slt.u32 s8, $0xFFFFF086  }
0x1c: {  	p1 =	slt.u32 s9, $0xF7A;
	s5 =	simm.s32 @!p2 $0x0  }
0x1d: {  	s5 =	simm.s32 @p1 $0x1;
	p0 =	seq.s32 s7, s2  }
0x1e: {  	s7 =	smul.u32 @!p0 $0xF7A, s2;
	p2 =	seq.s32 @!p0 s5, $0x0  }
0x1f: {  	s9 =	smul.u32 $0xF7A, s1;
	s8 =	simm.s32 @!p0 $0x1BF5;
	p2 =	por !p2, p0  }
0x20: {  	[sflag:s8] =	ssyncset.s32 @!p0 $0xFFFFF086;
	s6 =	sadd.s32 @!p0 s3, s7;
	s7 =	simm.s32 @!p0 $0x108  }
0x21: {  	s3 =	sadd.s32 s3, s9;
	s6 =	sadd.s32 @!p0 $0x88, s6;
	s7 =	simm.s32 @p2 $0x1082  }
0x22: {  	[simem:s7], [sflag:s8] =	dma.local @!p0 [hbm:s6], $0xF7A  }
0x23: {  	s9 =	sor.u32 $0xD0000000, s2;
	s6 =	simm.s32 $0x108;
	_ =	swait.ge @!p0 [sflag:s8], $0x0  }
0x24: {  	s3 =	sadd.s32 $0x88, s3;
	s6 =	simm.s32 @!p1 $0x1082;
	[sflag:s4] =	ssyncset.s32 $0xFFFFF086  }
0x25: {  	[simem:s6], [sflag:s4] =	dma.local [hbm:s3], $0xF7A  }
0x26: {  	[smem:$0x3F9F] =	sst s1;
	(tag) =	ssettag s2;
	_ =	strace s9  }
0x27: {  	s1 =	sld [smem:$0x3FAF]  }
0x28: {  	s2 =	sld [smem:$0x3FB0]  }
0x29: {  	s4 =	sld [smem:$0x3FB2]  }
0x2a: {  	p0 =	seq.s32 s5, $0x0;
	s5 =	sld [smem:$0x3FB3]  }
0x2b: {  	s6 =	sld [smem:$0x3FB4]  }
0x2c: {  	s7 =	sld [smem:$0x3FB5]  }
0x2d: {  	s3 =	simm.s32 $0x108;
	s8 =	sld [smem:$0x3FB6]  }
0x2e: {  	s3 =	simm.s32 @!p0 $0x1082;
	s9 =	sld [smem:$0x3FB7]  }
0x2f: {  	lr =	sadd.s32 s0, s3;
	s0 =	sld [smem:$0x3FAE]  }
0x30: {  	s3 =	sld [smem:$0x3FB1]  }
0x31: {  	[smem:$0x3FBA] =	sst s10  }
0x32: {  	s10 =	sld [smem:$0x3FB8];
	_ =	sdelay $0x3  }
0x33: {  	p0 =	seq.s32 s10, $0x1;
	s10 =	sld [smem:$0x3FBA];
	_ =	sdelay $0x3  }
0x34: {  	[smem:$0x3FBA] =	sst s10  }
0x35: {  	s10 =	sld [smem:$0x3FB9];
	_ =	sdelay $0x3  }
0x36: {  	p1 =	seq.s32 s10, $0x1;
	s10 =	sld [smem:$0x3FBA];
	_ =	sdelay $0x3  }
0x37: {  	[smem:$0x3FBA] =	sst s10  }
0x38: {  	s10 =	sld [smem:$0x3FBB]  }
0x39: {  	_ = 	snop;
	(pc) =	sbr.ind lr, $3  }
0x3a: {  	_ = 	snop  }
0x3b: {  	_ = 	snop  }
0x3c: {  	p2 =	seq.s32 s10, $0x1;
	s10 =	sld [smem:$0x3FBA]  }
0x3d: {  	_ =	shalt  }
0x3e: {  	_ =	shalt  }
0x3f: {  	_ =	shalt  }
0x40: {  	_ =	shalt  }
0x41: {  	_ =	shalt  }
0x42: {  	_ =	shalt  }
0x43: {  	_ =	shalt  }
0x44: {  	_ =	shalt  }
0x45: {  	_ =	shalt  }
0x46: {  	_ =	shalt  }
0x47: {  	_ =	shalt  }
0x48: {  	_ =	shalt  }
0x49: {  	_ =	shalt  }
0x4a: {  	_ =	shalt  }
0x4b: {  	_ =	shalt  }
0x4c: {  	_ =	shalt  }
0x4d: {  	_ =	shalt  }
0x4e: {  	_ =	shalt  }
0x4f: {  	_ =	shalt  }
0x50: {  	_ =	shalt  }
0x51: {  	_ =	shalt  }
0x52: {  	_ =	shalt  }
0x53: {  	_ =	shalt  }
0x54: {  	_ =	shalt  }
0x55: {  	_ =	shalt  }
0x56: {  	_ =	shalt  }
0x57: {  	_ =	shalt  }
0x58: {  	_ =	shalt  }
0x59: {  	_ =	shalt  }
0x5a: {  	_ =	shalt  }
0x5b: {  	_ =	shalt  }
0x5c: {  	_ =	shalt  }
0x5d: {  	_ =	shalt  }
0x5e: {  	_ =	shalt  }
0x5f: {  	_ =	shalt  }
0x60: {  	_ =	shalt  }
0x61: {  	_ =	shalt  }
0x62: {  	_ =	shalt  }
0x63: {  	_ =	shalt  }
0x64: {  	_ =	shalt  }
0x65: {  	_ =	shalt  }
0x66: {  	_ =	shalt  }
0x67: {  	_ =	shalt  }
0x68: {  	_ =	shalt  }
0x69: {  	_ =	shalt  }
0x6a: {  	_ =	shalt  }
0x6b: {  	_ =	shalt  }
0x6c: {  	_ =	shalt  }
0x6d: {  	_ =	shalt  }
0x6e: {  	_ =	shalt  }
0x6f: {  	_ =	shalt  }
0x70: {  	_ =	shalt  }
0x71: {  	_ =	shalt  }
0x72: {  	_ =	shalt  }
0x73: {  	_ =	shalt  }
0x74: {  	_ =	shalt  }
0x75: {  	_ =	shalt  }
0x76: {  	_ =	shalt  }
0x77: {  	_ =	shalt  }
0x78: {  	_ =	shalt  }
0x79: {  	_ =	shalt  }
0x7a: {  	_ =	shalt  }
0x7b: {  	_ =	shalt  }
0x7c: {  	_ =	shalt  }
0x7d: {  	_ =	shalt  }
0x7e: {  	_ =	shalt  }
0x7f: {  	_ =	shalt  }
0x80: {  	_ =	shalt  }
0x81: {  	_ =	shalt  }
0x82: {  	_ =	shalt  }
0x83: {  	_ =	shalt  }
0x84: {  	_ =	shalt  }
0x85: {  	_ =	shalt  }
0x86: {  	_ =	shalt  }
0x87: {  	_ =	shalt  }
.Lfunc_end0:
.L_simem_size_0:
called_computation_lowered:
.L_overlay_start_0:
0x88: {  	s2 =	sld [smem:$0x3FD9]  }
0x89: {  	s3 =	sld [smem:$0x3FFE];
	_ =	sdelay $0x1  }
0x8a: {  	s1 =	srdreg.scid  }
0x8b: {  	s0 =	sand.u32 $0x1, s1  }
0x8c: {  	s18 =	sshll.u32 s0, $0xA;
	s2 =	sadd.s32 s3, s2  }
0x8d: {  	s2 =	sadd.s32 s2, s18  }
0x8e: {  	[smem:$0x3FC6] =	sst s2  }
0x8f: {  	_ = 	snop  }
0x90: {  	s2 =	sld [smem:$0x3FC8]  }
0x91: {  	s19 =	sld [smem:$0x3FD0];
	(tm) =	ssettm $0x1  }
0x92: {  	s4 =	sld [smem:$0x3FFB];
	_ =	sdelay $0x3  }
0x93: {  	_ =	strace s4  }
0x94: {  	s4 =	sld [smem:$0x3FFC];
	_ =	sdelay $0x3  }
0x95: {  	_ =	strace s4  }
0x96: {  	s4 =	sld [smem:$0x3FFD];
	_ =	sdelay $0x3  }
0x97: {  	_ =	strace s4  }
0x98: {  	_ =	strace $0x8FFFFFFF  }
0x99: {  	s20 =	sld [smem:$0x3FDB];
	_ =	sdelay $0x1  }
0x9a: {  	s5 =	simm.s32 $_scs_section_size  }
0x9b: {  	s6 =	simm.s32 $_size__tile_overlayer_lowered;
	s7 =	simm.s32 $_tile_overlayer_lowered  }
0x9c: {  	s23 =	simm.s32 $0x1BFF;
	s22 =	sshll.u32 s7, $0x1;
	s4 =	sadd.s32 s5, s20  }
0x9d: {  	s8 =	simm.s32 $0x0;
	s21 =	sshll.u32 s6, $0x1;
	s6 =	sadd.s32 s22, s4  }
0x9e: {  	[timem:s8], [sflag:s23] =	dma.local [hbm:s6], s21  }
0x9f: {  	_ =	swait.ge [sflag:s23], s21  }
0xa0: {  	s5 =	ssub.s32 $0x0, s21;
	[sflag:s23] =	ssyncset.done $0x0  }
0xa1: {  	[sflag:s23] =	ssyncadd.s32 s5;
	_ =	sdelay $0x1  }
0xa2: {  	s24 =	simm.s32 $0x1B8B  }
0xa3: {  	_ =	swait.ge [sflag:s24], $0x1  }
0xa4: {  	[sflag:s24] =	ssyncset.done $0x0  }
0xa5: {  	s25 =	simm.s32 $0x1B8E;
	[sflag:s24] =	ssyncadd.s32 $0xFFFFFFFF  }
0xa6: {  	s26 =	simm.s32 $execute0_lowered;
	[smem:$0x3FD2] =	sst s25  }
0xa7: {  	s5 =	sshll.u32 s26, $0x1;
	_ =	strace $0x80000046;
	[dreg:$0x1] =	wrdreg $0xFFFFFFFF  }
0xa8: {  	s28 =	simm.s32 $_size_execute0_lowered;
	s4 =	sadd.s32 s4, s5;
	[dreg:$0x0] =	wrdreg $0x0  }
0xa9: {  	s5 =	sshll.u32 s28, $0x1;
	[dreg:$0x2] =	wrdreg s4  }
0xaa: {  	[dreg:$0x3] =	wrdreg s5  }
0xab: {  	[dreg:$0x4] =	wrdreg $0xC0  }
0xac: {  	_ =	task [dreg:s8], $0x5FFFF  }
0xad: {  	[dreg:$0x1] =	wrdreg $0xFFFFFFFF  }
0xae: {  	[dreg:$0x0] =	wrdreg $0x60  }
0xaf: {  	[dreg:$0x2] =	wrdreg s2  }
0xb0: {  	[dreg:$0x3] =	wrdreg s19  }
0xb1: {  	[dreg:$0x4] =	wrdreg $0x9  }
0xb2: {  	_ =	task.clear_ibuf [dreg:s8], $0x5FFFF;
	_ =	strace $0x90000046  }
0xb3: {  	s29 =	simm.s32 $0x9;
	_ =	strace $0x80000048  }
0xb4: {  	_ =	swait.ge [sflag:s29], $0x1  }
0xb5: {  	[sflag:s29] =	ssyncadd.s32 $0xFFFFFFFF  }
0xb6: {  	_ =	strace $0x90000048  }
0xb7: {  	_ =	sfence  }
0xb8: {  	s30 =	sld [smem:$0x0];
	_ =	sdelay $0x2  }
0xb9: {  	s31 =	sshll.u32 s1, $0xD;
	s1 =	sshrl.u32 s1, $0x2  }
0xba: {  	s3 =	sand.u32 $0x4000, s31;
	s1 =	sadd.s32 s1, s30  }
0xbb: {  	s0 =	sor.u32 s3, s0;
	s1 =	sshll.u32 s1, $0x11  }
0xbc: {  	s0 =	sor.u32 s1, s0  }
0xbd: {  	s0 =	sadd.s32 $0x8F2B, s0  }
0xbe: {  	[sflag:s0] =	ssyncadd.remote.s32 $0x1  }
0xbf: {  	_ =	sfence.sel $0xFFFF  }
0xc0: {  	[dreg:$0x0] =	wrdreg $0xFFFFFFFF;
	(pc) =	sbr.abs _section_cstart, $3  }
0xc1: {  	[dreg:$0x1] =	wrdreg $0xFFFFFFFF  }
0xc2: {  	_ =	task.clear_ibuf [dreg:s8], $0x2FFFF;
	_ =	strace $0x9FFFFFFF  }
0xc3: {  	(tm) =	ssettm $0x7FFFFFFF  }
tec
execute0_lowered:
.L_overlay_start_1:
0x0: {  	(tag) =	ssettag $0x1  }
0x1: {  	s2 =	rddreg [dreg:$0x0]  }
0x2: {  	s0 =	stileid.u32;
	s8 =	rddreg [dreg:$0x1];
	s5 =	simm.s32 $0x0  }
0x3: {  	s4 =	srdreg.scid;
	s7 =	sshrl.u32 s0, $0x3;
	s1 =	sshll.u32 s0, $0x7  }
0x4: {  	[smem:$0x7FF] =	sst s5;
	s10 =	sand.u32 $0x1, s4;
	s4 =	simm.s32 $0x400  }
0x5: {  	s3 =	sshll.u32 s7, $0xF;
	s9 =	sand.u32 $0x380, s1;
	s11 =	ssub.s32 $0x2, s10  }
0x6: {  	s1 =	rddreg [dreg:$0x2];
	s3 =	sor.u32 s9, s3;
	s12 =	sshrl.u32 s11, $0x1  }
0x7: {  	_ =	strace $0x80000047;
	s3 =	sshrl.u32 s3, $0x3;
	s11 =	ssub.s32 s11, s12  }
0x8: {  	s6 =	sadd.s32 s2, s3;
	s3 =	simm.s32 $0x80;
	s2 =	simm.s32 $0x1  }
0x9: {  	[tilespmem:s5], [sflag:$0x1] =	stream.strided.gather [hbm4b:s6+s3], $0x1000, s4, s3, $0x38;
	[tilespmem:$0x1100] =	vst v63  }
0xa: {  	s31 =	smax.u32 s11, $0x1;
	_ =	swait.ge [sflag:s2], $0x1000  }
0xb: {  	s7 =	sshll.u32 s7, $0xC;
	p0 =	sne.s32 s31, $0x1;
	[sflag:s2] =	ssyncset.done $0x0  }
.Ltmp0:
0xc: {  	v0 =	vimm.f32 $1.000000000e+00;
	s10 =	sshll.u32 s10, $0xB;
	[sflag:s2] =	ssyncadd.s32 $0xFFFFF000;
	(pc) =	sbr.rel @!p0 .LBB2_2-.Ltmp0, $4  }
0xd: {  	s7 =	sor.u32 s10, s7;
	[tilespmem:$0x10F0] =	vst v0  }
0xe: {  	s7 =	sor.u32 s9, s7;
	[tilespmem:$0x10E0] =	vst v0  }
0xf: {  	s7 =	sshrl.u32 s7, $0x3;
	[tilespmem:$0x10D0] =	vst v0  }
0x10: {  	s7 =	sadd.s32 s8, s7;
	s8 =	simm.s32 $0x1000;
	s9 =	sadd.s32 $0xFFFFFFFF, s31;
	[tilespmem:$0x10C0] =	vst v0  }
.LBB2_1:
0x11: {  	p0 =	sne.s32 s9, $0x1;
	s9 =	sadd.s32 $0xFFFFFFFF, s9;
	[tilespmem:$0x10B0] =	vst v0  }
0x12: {  	[tilespmem:$0x10A0] =	vst v0  }
0x13: {  	[tilespmem:$0x1090] =	vst v0  }
0x14: {  	[tilespmem:$0x1080] =	vst v0  }
0x15: {  	[tilespmem:$0x1070] =	vst v0  }
0x16: {  	[tilespmem:$0x1060] =	vst v0  }
0x17: {  	[tilespmem:$0x1050] =	vst v0  }
0x18: {  	[tilespmem:$0x1040] =	vst v0  }
0x19: {  	[tilespmem:$0x1030] =	vst v0  }
0x1a: {  	[tilespmem:$0x1020] =	vst v0  }
0x1b: {  	[tilespmem:$0x1000] =	vst v0  }
0x1c: {  	[tilespmem:$0x1010] =	vst v0  }
0x1d: {  	[hbm4b:s7+s3] =	stream.strided.scatter [tilespmem:s8], [sflag:$0x1], $0x100, s4, s3, $0x38;
	[tilespmem:$0x1100] =	vst v63  }
0x1e: {  	_ =	swait.ge [sflag:s2], $0x100  }
0x1f: {  	[sflag:s2] =	ssyncset.done $0x0  }
0x20: {  	[sflag:s2] =	ssyncadd.s32 $0xFFFFFF00  }
0x21: {  	[tilespmem:s5], [sflag:$0x1] =	stream.strided.gather [hbm4b:s6+s3], $0x1000, s4, s3, $0x38;
	[tilespmem:$0x1100] =	vst v63  }
0x22: {  	_ =	swait.ge [sflag:s2], $0x1000  }
0x23: {  	[sflag:s2] =	ssyncset.done $0x0  }
.Ltmp1:
0x24: {  	[sflag:s2] =	ssyncadd.s32 $0xFFFFF000;
	(pc) =	sbr.rel @p0 .LBB2_1-.Ltmp1, $4  }
0x25: {  	[tilespmem:$0x10F0] =	vst v0  }
0x26: {  	[tilespmem:$0x10E0] =	vst v0  }
0x27: {  	[tilespmem:$0x10D0] =	vst v0  }
0x28: {  	[tilespmem:$0x10C0] =	vst v0  }
.LBB2_2:
0x29: {  	[tilespmem:$0x10B0] =	vst v0  }
0x2a: {  	[tilespmem:$0x10A0] =	vst v0  }
0x2b: {  	[tilespmem:$0x1090] =	vst v0  }
0x2c: {  	[tilespmem:$0x1080] =	vst v0  }
0x2d: {  	[tilespmem:$0x1070] =	vst v0  }
0x2e: {  	[tilespmem:$0x1060] =	vst v0  }
0x2f: {  	[tilespmem:$0x1050] =	vst v0  }
0x30: {  	[tilespmem:$0x1040] =	vst v0  }
0x31: {  	[tilespmem:$0x1030] =	vst v0  }
0x32: {  	[tilespmem:$0x1020] =	vst v0  }
0x33: {  	[tilespmem:$0x1000] =	vst v0  }
0x34: {  	[tilespmem:$0x1010] =	vst v0  }
0x35: {  	[hbm4b:s7+s3] =	stream.strided.scatter [tilespmem:s8], [sflag:$0x1], $0x100, s4, s3, $0x38;
	[tilespmem:$0x1100] =	vst v63  }
0x36: {  	_ =	swait.ge [sflag:s2], $0x100  }
0x37: {  	[sflag:s2] =	ssyncset.done $0x0  }
0x38: {  	[sflag:s2] =	ssyncadd.s32 $0xFFFFFF00  }
0x39: {  	_ =	sfence.sel $0x180000  }
0x3a: {  	[bflag:$0x0] =	sbarrier.arrive $0xFFFF  }
0x3b: {  	p0 =	sne.s32 s0, $0x0;
	_ =	strace $0x90000047  }
0x3c: {  	s0 =	sadd.s32 @!p0 $0x100000, s1;
	[bflag:$0x2] =	sbarrier.arrive $0xFFFF  }
0x3d: {  	[sflag:s0] =	ssyncadd.tile.s32 @!p0 $0x1;
	_ =	shalt  }
.Lfunc_end2:
_tile_overlayer_lowered:
.L_overlay_start_2:
0x3e: {  	(tag) =	ssettag $0x2  }
0x3f: {  	s0 =	rddreg [dreg:$0x0];
	s2 =	stileid.u32  }
0x40: {  	s1 =	rddreg [dreg:$0x1];
	p0 =	sne.s32 s2, $0x0  }
0x41: {  	s3 =	rddreg [dreg:$0x2];
	[bflag:$0x3] =	sbarrier.arrive $0xFFFF;
	s2 =	simm.s32 @!p0 $0x1C01  }
0x42: {  	[timem:s3], [sflag:s2] =	dma.local @!p0 [hbm:s0], s1  }
0x43: {  	s0 =	simm.s32 @!p0 $0x1  }
0x44: {  	_ =	swait.ge @!p0 [sflag:s0], s1  }
0x45: {  	s1 =	ssub.s32 @!p0 $0x0, s1;
	[sflag:s0] =	ssyncset.done @!p0 $0x0  }
0x46: {  	[sflag:s0] =	ssyncadd.s32 @!p0 s1  }
0x47: {  	[bflag:$0x3] =	sbarrier.arrive $0xFFFF  }
0x48: {  	_ =	shalt  }

</sc_bundles>
